<compile_context>
chip_gen: v7x
topology: tpu7x:2x2x1
jax: 0.10.2.dev20260603
libtpu: 0.0.44.dev20260713+nightly
codegen_flags: <defaults>
</compile_context>

<pallas_src>
import functools

import jax
import jax.numpy as jnp
from jax.experimental import pallas as pl
from jax.experimental.pallas import tpu as pltpu
from jax.experimental.pallas import tpu_sc as plsc

N = 50000
D = 512
S = 64
B = 2000
NB = N // B
R2 = 5
NB2 = NB // R2

_NEG_INF = float("-inf")


def _sweep_kernel(x_ref, browp_ref, w1_ref, b1_ref,
                  w2_ref,
                  scores_ref, out_ref, q2_ref, qf_ref,
                  m_ref, d_ref, o_ref, sprev_ref, xbprev_ref):
    i = pl.program_id(0)

    @pl.when(i == 0)
    def _init():
        m_ref[...] = jnp.full_like(m_ref, _NEG_INF)
        d_ref[...] = jnp.zeros_like(d_ref)
        o_ref[...] = jnp.zeros_like(o_ref)

    x = x_ref[...]
    xb = x.astype(jnp.bfloat16)
    h = jnp.tanh(
        jnp.dot(xb, w1_ref[...], preferred_element_type=jnp.float32)
        + b1_ref[...])
    s = jnp.dot(h.astype(jnp.bfloat16), w2_ref[...],
                preferred_element_type=jnp.float32)

    s_prev = sprev_ref[...]
    browp = browp_ref[...].reshape(1, B)
    bcolp = browp.reshape(B, 1)
    mask = bcolp == jax.lax.broadcasted_iota(jnp.int32, (B, S), 1)
    mask_b = mask.astype(jnp.bfloat16)
    mask_t_b = (browp == jax.lax.broadcasted_iota(jnp.int32, (S, B), 0)
                ).astype(jnp.bfloat16)

    first = i == 0
    sm = jnp.where(first, _NEG_INF,
                   jnp.max(jnp.where(mask, s_prev, _NEG_INF), axis=0,
                           keepdims=True))
    m_old = m_ref[...]
    m_new = jnp.maximum(m_old, sm).astype(jnp.bfloat16).astype(jnp.float32)
    m_safe = jnp.where(m_new == _NEG_INF, 0.0, m_new)
    r = jnp.where(m_old == _NEG_INF, 0.0, jnp.exp(m_old - m_safe))
    r_col = r.reshape(S, 1)
    m_ref[...] = m_new

    mg = jnp.dot(mask_b, m_safe.reshape(S, 1).astype(jnp.bfloat16),
                 preferred_element_type=jnp.float32)
    ex = jnp.exp(s_prev - mg)
    exb = ex.astype(jnp.bfloat16)
    dsum = jnp.dot(mask_t_b, exb,
                   preferred_element_type=jnp.float32)
    d_ref[...] = d_ref[...] * r_col + jnp.where(first, 0.0, dsum)
    xw = xbprev_ref[...] * exb
    po = jnp.dot(mask_t_b, xw,
                 preferred_element_type=jnp.float32)
    o_ref[...] = o_ref[...] * r_col + jnp.where(first, 0.0, po)

    scores_ref[...] = s.reshape(1, 1, B)
    sprev_ref[...] = s
    xbprev_ref[...] = xb

    @pl.when(i == NB)
    def _fin():
        d = d_ref[...]
        out_ref[...] = o_ref[...] * (1.0 / (d + 1e-16))
        m_fin = jnp.where(m_ref[...] == _NEG_INF, 0.0, m_ref[...])
        q = m_fin.reshape(S, 1) + jnp.log(d + 1e-16)
        qhi = q.astype(jnp.bfloat16)
        qlo = (q - qhi.astype(jnp.float32)).astype(jnp.bfloat16)
        q2_ref[...] = jnp.concatenate(
            [qhi.reshape(1, S), qlo.reshape(1, S)], axis=0)
        qf_ref[...] = q.reshape(1, S)


_SC_NC = 2
_SC_NS = 16
_SC_NW = _SC_NC * _SC_NS
_NPAD = 50176
_SC_CHUNK = _NPAD // _SC_NW


def _sc_weights_body(scores_hbm, batch_hbm, q_hbm, w_hbm,
                     idx_v, s_v, qg_v, w_v, sem):
    wid = jax.lax.axis_index("s") * _SC_NC + jax.lax.axis_index("c")
    base = wid * _SC_CHUNK
    pltpu.sync_copy(batch_hbm.at[pl.ds(base, _SC_CHUNK)], idx_v)
    pltpu.async_copy(q_hbm.at[idx_v], qg_v, sem).wait()
    pltpu.sync_copy(scores_hbm.at[pl.ds(base, _SC_CHUNK)], s_v)

    def body(k, carry):
        sl = pl.ds(k * 16, 16)
        w_v[sl] = jnp.exp(s_v[sl] - qg_v[sl])
        return carry

    jax.lax.fori_loop(0, _SC_CHUNK // 16, body, 0)
    pltpu.sync_copy(w_v, w_hbm.at[pl.ds(base, _SC_CHUNK)])


def _sc_weights(scores_pad, batch_pad, q_vec):
    mesh = plsc.VectorSubcoreMesh(core_axis_name="c", subcore_axis_name="s")
    k = functools.partial(
        pl.kernel, mesh=mesh,
        out_type=jax.ShapeDtypeStruct((_NPAD,), jnp.float32),
        scratch_types=[
            pltpu.VMEM((_SC_CHUNK,), jnp.int32),
            pltpu.VMEM((_SC_CHUNK,), jnp.float32),
            pltpu.VMEM((_SC_CHUNK,), jnp.float32),
            pltpu.VMEM((_SC_CHUNK,), jnp.float32),
            pltpu.SemaphoreType.DMA,
        ],
    )(_sc_weights_body)
    return k(scores_pad, batch_pad, q_vec)


def _weights_kernel(scores_ref, brow_ref, q2_ref, w_ref):
    q2 = q2_ref[...]
    for r in range(R2):
        srow = scores_ref[r]
        brow = brow_ref[r]
        mask_t_b = (brow == jax.lax.broadcasted_iota(jnp.int32, (S, B), 0)
                    ).astype(jnp.bfloat16)
        mg2 = jnp.dot(q2, mask_t_b,
                      preferred_element_type=jnp.float32)
        w_ref[r] = jnp.exp(srow - mg2[0:1, :] - mg2[1:2, :])


def kernel(x, batch, W1, b1, W2, b2):
    brow3 = batch.astype(jnp.int32).reshape(NB, 1, B)
    w1b = W1.astype(jnp.bfloat16)
    w2b = W2.astype(jnp.bfloat16)
    b1r = b1.reshape(1, D)

    _clamp = lambda i: jnp.minimum(i, NB - 1)
    _prev = lambda i: jnp.clip(i - 1, 0, NB - 1)
    scores, out, q2, qf = pl.pallas_call(
        _sweep_kernel,
        grid=(NB + 1,),
        in_specs=[
            pl.BlockSpec((B, D), lambda i: (_clamp(i), 0)),
            pl.BlockSpec((1, 1, B), lambda i: (_prev(i), 0, 0)),
            pl.BlockSpec((D, D), lambda i: (0, 0)),
            pl.BlockSpec((1, D), lambda i: (0, 0)),
            pl.BlockSpec((D, 1), lambda i: (0, 0)),
        ],
        out_specs=[
            pl.BlockSpec((1, 1, B), lambda i: (_clamp(i), 0, 0)),
            pl.BlockSpec((S, D), lambda i: (0, 0)),
            pl.BlockSpec((2, S), lambda i: (0, 0)),
            pl.BlockSpec((1, S), lambda i: (0, 0)),
        ],
        out_shape=[
            jax.ShapeDtypeStruct((NB, 1, B), jnp.float32),
            jax.ShapeDtypeStruct((S, D), jnp.float32),
            jax.ShapeDtypeStruct((2, S), jnp.bfloat16),
            jax.ShapeDtypeStruct((1, S), jnp.float32),
        ],
        scratch_shapes=[
            pltpu.VMEM((1, S), jnp.float32),
            pltpu.VMEM((S, 1), jnp.float32),
            pltpu.VMEM((S, D), jnp.float32),
            pltpu.VMEM((B, 1), jnp.float32),
            pltpu.VMEM((B, D), jnp.bfloat16),
        ],
        compiler_params=pltpu.CompilerParams(
            dimension_semantics=("arbitrary",)),
    )(x, brow3, w1b, b1r, w2b)

    scores_pad = jnp.pad(scores.reshape(N), (0, _NPAD - N))
    batch_pad = jnp.pad(batch.astype(jnp.int32), (0, _NPAD - N))
    w_pad = _sc_weights(scores_pad, batch_pad, qf.reshape(S))

    return out, w_pad[:N]

# --- scband reference (transcript-rebuilt; emitter-appended) ---
"""Pipeline reference for scband-attention-pooling-80659485819337 (READ-ONLY COPY).

The authoritative reference and input builder live on the scoring server;
editing this copy changes nothing except your own understanding.
"""

import jax, jax.numpy as jnp
import numpy as np

NUM_SEGMENTS = 64
N = 50000
D = 512

def setup_inputs(seed: int = 0) -> dict:
    key = jax.random.key(seed)
    k1, k2, k3, k4 = jax.random.split(key, 4)
    x = jax.random.normal(k1, (N, D), dtype=jnp.float32)
    batch = jnp.sort(jax.random.randint(k2, (N,), 0, NUM_SEGMENTS)).astype(jnp.int64)
    # attention MLP params: Linear(D, D) -> Tanh -> Linear(D, 1)
    W1 = jax.random.normal(k3, (D, D), dtype=jnp.float32) * 0.02
    b1 = jnp.zeros((D,), dtype=jnp.float32)
    W2 = jax.random.normal(k4, (D, 1), dtype=jnp.float32) * 0.02
    b2 = jnp.zeros((1,), dtype=jnp.float32)
    return {"x": x, "batch": batch, "W1": W1, "b1": b1, "W2": W2, "b2": b2}

def reference(x, batch, W1, b1, W2, b2):
    # attention scores: Linear -> Tanh -> Linear -> squeeze
    h = jnp.tanh(x @ W1 + b1)
    attn_scores = (h @ W2 + b2).squeeze(-1)  # [N]
    # segment-wise softmax over nodes grouped by graph id (torch_geometric softmax)
    seg_max = jax.ops.segment_max(attn_scores, batch, num_segments=NUM_SEGMENTS)
    seg_max = jnp.where(jnp.isfinite(seg_max), seg_max, 0.0)
    ex = jnp.exp(attn_scores - seg_max[batch])
    denom = jax.ops.segment_sum(ex, batch, num_segments=NUM_SEGMENTS)
    attn_weights = ex / (denom[batch] + 1e-16)  # [N]
    # weighted global add pool
    weighted = x * attn_weights[:, None]
    out = jax.ops.segment_sum(weighted, batch, num_segments=NUM_SEGMENTS)  # [B, D]
    return (out, attn_weights)

if __name__ == "__main__":
    import jax
    _d = setup_inputs()
    print(jax.jit(kernel)(*tuple(_d.values())))

</pallas_src>

<mosaic_0001>
#map = affine_map<(d0, d1) -> (0)>
module attributes {stable_mosaic.version = 14 : i64} {
  func.func @_sc_weights_body(%arg0: i32, %arg1: i32, %arg2: memref<50176xf32, #tpu.memory_space<hbm>>, %arg3: memref<50176xi32, #tpu.memory_space<hbm>>, %arg4: memref<64xf32, #tpu.memory_space<hbm>>, %arg5: memref<50176xf32, #tpu.memory_space<hbm>>, %arg6: memref<1568xi32, #tpu.memory_space<vmem>>, %arg7: memref<1568xf32, #tpu.memory_space<vmem>>, %arg8: memref<1568xf32, #tpu.memory_space<vmem>>, %arg9: memref<1568xf32, #tpu.memory_space<vmem>>, %arg10: memref<!tpu.dma_semaphore, #tpu.memory_space<semaphore_mem>>) attributes {dimension_semantics = [#tpu.dimension_semantics<core_parallel>, #tpu.dimension_semantics<subcore_parallel>], iteration_bounds = array<i64: 2, 16>, scalar_prefetch = 0 : i64, scratch_operands = 5 : i64, tpu.core_type = #tpu.core_type<sc_vector_subcore>, window_params = [{transform_indices = #map}, {transform_indices = #map}, {transform_indices = #map}, {transform_indices = #map}]} {
    %mul3A = arith.constant 2 : i32
    %mul3A_0 = arith.muli %arg1, %mul3A : i32
    %add3A = arith.addi %mul3A_0, %arg0 : i32
    %mul3A_1 = arith.constant 1568 : i32
    %mul3A_2 = arith.muli %add3A, %mul3A_1 : i32
    "tpu.region"() ({
      %run_scoped3A = tpu.sem_alloc : memref<!tpu.dma_semaphore, #tpu.memory_space<semaphore_mem>>
      %dma_start3A_10 = tpu.memref_slice %arg3[%mul3A_2] : memref<50176xi32, #tpu.memory_space<hbm>> -> memref<1568xi32, #tpu.memory_space<hbm>>
      %dma_start3A_11 = tpu.memref_slice %arg3[%mul3A_2] : memref<50176xi32, #tpu.memory_space<hbm>> -> memref<1568xi32, #tpu.memory_space<hbm>>
      tpu.enqueue_dma source(%dma_start3A_11 : memref<1568xi32, #tpu.memory_space<hbm>>) target(%arg6 : memref<1568xi32, #tpu.memory_space<vmem>>) target_semaphore(%run_scoped3A : memref<!tpu.dma_semaphore, #tpu.memory_space<semaphore_mem>>)
      %dma_wait3A_12 = tpu.memref_slice %arg3[%mul3A_2] : memref<50176xi32, #tpu.memory_space<hbm>> -> memref<1568xi32, #tpu.memory_space<hbm>>
      %dma_wait3A_13 = tpu.memref_slice %arg3[%mul3A_2] : memref<50176xi32, #tpu.memory_space<hbm>> -> memref<1568xi32, #tpu.memory_space<hbm>>
      tpu.wait_dma2 semaphore(%run_scoped3A : memref<!tpu.dma_semaphore, #tpu.memory_space<semaphore_mem>>) src(%dma_wait3A_13 : memref<1568xi32, #tpu.memory_space<hbm>>) dst(%arg6 : memref<1568xi32, #tpu.memory_space<vmem>>)
      tpu.yield
    }) : () -> ()
    %dma_start3A = arith.constant 0 : i32
    %dma_start3A_3 = tpu.memref_slice %arg4[%dma_start3A] : memref<64xf32, #tpu.memory_space<hbm>> -> memref<64xf32, #tpu.memory_space<hbm>>
    tpu.enqueue_indirect_dma source(%dma_start3A_3 : memref<64xf32, #tpu.memory_space<hbm>>) target(%arg8 : memref<1568xf32, #tpu.memory_space<vmem>>) offsets(%arg6 : memref<1568xi32, #tpu.memory_space<vmem>>) semaphore(%arg10 : memref<!tpu.dma_semaphore, #tpu.memory_space<semaphore_mem>>)
    %dma_wait3A = arith.constant 0 : i32
    %dma_wait3A_4 = tpu.memref_slice %arg4[%dma_wait3A] : memref<64xf32, #tpu.memory_space<hbm>> -> memref<64xf32, #tpu.memory_space<hbm>>
    tpu.wait_indirect_dma semaphore(%arg10 : memref<!tpu.dma_semaphore, #tpu.memory_space<semaphore_mem>>) src(%dma_wait3A_4 : memref<64xf32, #tpu.memory_space<hbm>>) dst(%arg8 : memref<1568xf32, #tpu.memory_space<vmem>>)
    "tpu.region"() ({
      %run_scoped3A = tpu.sem_alloc : memref<!tpu.dma_semaphore, #tpu.memory_space<semaphore_mem>>
      %dma_start3A_10 = tpu.memref_slice %arg2[%mul3A_2] : memref<50176xf32, #tpu.memory_space<hbm>> -> memref<1568xf32, #tpu.memory_space<hbm>>
      %dma_start3A_11 = tpu.memref_slice %arg2[%mul3A_2] : memref<50176xf32, #tpu.memory_space<hbm>> -> memref<1568xf32, #tpu.memory_space<hbm>>
      tpu.enqueue_dma source(%dma_start3A_11 : memref<1568xf32, #tpu.memory_space<hbm>>) target(%arg7 : memref<1568xf32, #tpu.memory_space<vmem>>) target_semaphore(%run_scoped3A : memref<!tpu.dma_semaphore, #tpu.memory_space<semaphore_mem>>)
      %dma_wait3A_12 = tpu.memref_slice %arg2[%mul3A_2] : memref<50176xf32, #tpu.memory_space<hbm>> -> memref<1568xf32, #tpu.memory_space<hbm>>
      %dma_wait3A_13 = tpu.memref_slice %arg2[%mul3A_2] : memref<50176xf32, #tpu.memory_space<hbm>> -> memref<1568xf32, #tpu.memory_space<hbm>>
      tpu.wait_dma2 semaphore(%run_scoped3A : memref<!tpu.dma_semaphore, #tpu.memory_space<semaphore_mem>>) src(%dma_wait3A_13 : memref<1568xf32, #tpu.memory_space<hbm>>) dst(%arg7 : memref<1568xf32, #tpu.memory_space<vmem>>)
      tpu.yield
    }) : () -> ()
    %scan3A = arith.constant 0 : i32
    %scan3A_5 = arith.constant 0 : i32
    %scan3A_6 = arith.constant 98 : i32
    %scan3A_7 = arith.addi %scan3A_5, %scan3A_6 : i32
    %scan3A_8 = arith.constant 1 : i32
    scf.for %scan3A_10 = %scan3A_5 to %scan3A_7 step %scan3A_8  : i32 {
      %mul3A_11 = arith.constant 16 : i32
      %mul3A_12 = arith.muli %scan3A_10, %mul3A_11 : i32
      %get3A = arith.index_cast %mul3A_12 : i32 to index
      %get3A_13 = tpu.vector_load %arg7[%get3A] {strides = array<i32>} : memref<1568xf32, #tpu.memory_space<vmem>>, vector<16xf32>,
      %get3A_14 = vector.shape_cast %get3A_13 : vector<16xf32> to vector<16xf32>
      %get3A_15 = arith.index_cast %mul3A_12 : i32 to index
      %get3A_16 = tpu.vector_load %arg8[%get3A_15] {strides = array<i32>} : memref<1568xf32, #tpu.memory_space<vmem>>, vector<16xf32>,
      %get3A_17 = vector.shape_cast %get3A_16 : vector<16xf32> to vector<16xf32>
      %sub3A = arith.subf %get3A_14, %get3A_17 : vector<16xf32>
      %exp3A = math.exp %sub3A : vector<16xf32>
      %swap3A = arith.index_cast %mul3A_12 : i32 to index
      %swap3A_18 = tpu.vector_load %arg9[%swap3A] {strides = array<i32>} : memref<1568xf32, #tpu.memory_space<vmem>>, vector<16xf32>,
      %swap3A_19 = vector.shape_cast %swap3A_18 : vector<16xf32> to vector<16xf32>
      %swap3A_20 = vector.shape_cast %exp3A : vector<16xf32> to vector<16xf32>
      tpu.vector_store %arg9[%swap3A], %swap3A_20 {strides = array<i32>} : memref<1568xf32, #tpu.memory_space<vmem>>, vector<16xf32>,
    }
    %scan3A_9 = arith.constant 98 : i32
    "tpu.region"() ({
      %run_scoped3A = tpu.sem_alloc : memref<!tpu.dma_semaphore, #tpu.memory_space<semaphore_mem>>
      %dma_start3A_10 = tpu.memref_slice %arg5[%mul3A_2] : memref<50176xf32, #tpu.memory_space<hbm>> -> memref<1568xf32, #tpu.memory_space<hbm>>
      %dma_start3A_11 = tpu.memref_slice %arg5[%mul3A_2] : memref<50176xf32, #tpu.memory_space<hbm>> -> memref<1568xf32, #tpu.memory_space<hbm>>
      tpu.enqueue_dma source(%arg9 : memref<1568xf32, #tpu.memory_space<vmem>>) target(%dma_start3A_11 : memref<1568xf32, #tpu.memory_space<hbm>>) target_semaphore(%run_scoped3A : memref<!tpu.dma_semaphore, #tpu.memory_space<semaphore_mem>>)
      %dma_wait3A_12 = tpu.memref_slice %arg5[%mul3A_2] : memref<50176xf32, #tpu.memory_space<hbm>> -> memref<1568xf32, #tpu.memory_space<hbm>>
      %dma_wait3A_13 = tpu.memref_slice %arg5[%mul3A_2] : memref<50176xf32, #tpu.memory_space<hbm>> -> memref<1568xf32, #tpu.memory_space<hbm>>
      tpu.wait_dma2 semaphore(%run_scoped3A : memref<!tpu.dma_semaphore, #tpu.memory_space<semaphore_mem>>) src(%arg9 : memref<1568xf32, #tpu.memory_space<vmem>>) dst(%dma_wait3A_13 : memref<1568xf32, #tpu.memory_space<hbm>>)
      tpu.yield
    }) : () -> ()
    return
  }
}

module attributes {stable_mosaic.version = 14 : i64} {
  func.func @_sweep_kernel(%arg0: i32, %arg1: memref<2000x512xf32, #tpu.memory_space<vmem>>, %arg2: memref<1x1x2000xi32, #tpu.memory_space<vmem>>, %arg3: memref<512x512xbf16, #tpu.memory_space<vmem>>, %arg4: memref<1x512xf32, #tpu.memory_space<vmem>>, %arg5: memref<512x1xbf16, #tpu.memory_space<vmem>>, %arg6: memref<1x1x2000xf32, #tpu.memory_space<vmem>>, %arg7: memref<64x512xf32, #tpu.memory_space<vmem>>, %arg8: memref<2x64xbf16, #tpu.memory_space<vmem>>, %arg9: memref<1x64xf32, #tpu.memory_space<vmem>>, %arg10: memref<1x64xf32, #tpu.memory_space<vmem>>, %arg11: memref<64x1xf32, #tpu.memory_space<vmem>>, %arg12: memref<64x512xf32, #tpu.memory_space<vmem>>, %arg13: memref<2000x1xf32, #tpu.memory_space<vmem>>, %arg14: memref<2000x512xbf16, #tpu.memory_space<vmem>>) attributes {dimension_semantics = [#tpu.dimension_semantics<arbitrary>], iteration_bounds = array<i64: 26>, scalar_prefetch = 0 : i64, scratch_operands = 5 : i64, tpu.core_type = #tpu.core_type<tc>, window_params = [{transform_indices = @transform_0, window_bounds = array<i64: 2000, 512>}, {transform_indices = @transform_1, window_bounds = array<i64: 1, 1, 2000>}, {pipeline_mode = #tpu.pipeline_mode<synchronous>, transform_indices = @transform_2, window_bounds = array<i64: 512, 512>}, {pipeline_mode = #tpu.pipeline_mode<synchronous>, transform_indices = @transform_3, window_bounds = array<i64: 1, 512>}, {pipeline_mode = #tpu.pipeline_mode<synchronous>, transform_indices = @transform_4, window_bounds = array<i64: 512, 1>}, {transform_indices = @transform_5, window_bounds = array<i64: 1, 1, 2000>}, {pipeline_mode = #tpu.pipeline_mode<synchronous>, transform_indices = @transform_6, window_bounds = array<i64: 64, 512>}, {pipeline_mode = #tpu.pipeline_mode<synchronous>, transform_indices = @transform_7, window_bounds = array<i64: 2, 64>}, {pipeline_mode = #tpu.pipeline_mode<synchronous>, transform_indices = @transform_8, window_bounds = array<i64: 1, 64>}]} {
    %eq3A = arith.constant 0 : i32
    %eq3A_0 = arith.cmpi eq, %arg0, %eq3A : i32
    %convert_element_type3A = arith.extui %eq3A_0 : i1 to i32
    %cond3A = arith.constant 0 : i32
    %cond3A_1 = arith.cmpi ne, %convert_element_type3A, %cond3A : i32
    scf.if %cond3A_1 {
      %broadcast_in_dim3A_121 = arith.constant 0xFF800000 : f32
      %broadcast_in_dim3A_122 = vector.broadcast %broadcast_in_dim3A_121 : f32 to vector<1x64xf32>
      %swap3A_123 = arith.constant 0 : index
      %swap3A_124 = arith.constant 0 : index
      %swap3A_125 = vector.load %arg10[%swap3A_123, %swap3A_124] : memref<1x64xf32, #tpu.memory_space<vmem>>, vector<1x64xf32>
      tpu.vector_store %arg10[%swap3A_123, %swap3A_124], %broadcast_in_dim3A_122 {strides = array<i32>} : memref<1x64xf32, #tpu.memory_space<vmem>>, vector<1x64xf32>,
      %broadcast_in_dim3A_126 = arith.constant 0.000000e+00 : f32
      %broadcast_in_dim3A_127 = vector.broadcast %broadcast_in_dim3A_126 : f32 to vector<64x1xf32>
      %swap3A_128 = arith.constant 0 : index
      %swap3A_129 = arith.constant 0 : index
      %swap3A_130 = vector.load %arg11[%swap3A_128, %swap3A_129] : memref<64x1xf32, #tpu.memory_space<vmem>>, vector<64x1xf32>
      tpu.vector_store %arg11[%swap3A_128, %swap3A_129], %broadcast_in_dim3A_127 {strides = array<i32>} : memref<64x1xf32, #tpu.memory_space<vmem>>, vector<64x1xf32>,
      %broadcast_in_dim3A_131 = arith.constant 0.000000e+00 : f32
      %broadcast_in_dim3A_132 = vector.broadcast %broadcast_in_dim3A_131 : f32 to vector<64x512xf32>
      %swap3A_133 = arith.constant 0 : index
      %swap3A_134 = arith.constant 0 : index
      %swap3A_135 = vector.load %arg12[%swap3A_133, %swap3A_134] : memref<64x512xf32, #tpu.memory_space<vmem>>, vector<64x512xf32>
      tpu.vector_store %arg12[%swap3A_133, %swap3A_134], %broadcast_in_dim3A_132 {strides = array<i32>} : memref<64x512xf32, #tpu.memory_space<vmem>>, vector<64x512xf32>,
    } else {
    }
    %get3A = arith.constant 0 : index
    %get3A_2 = arith.constant 0 : index
    %get3A_3 = vector.load %arg1[%get3A, %get3A_2] : memref<2000x512xf32, #tpu.memory_space<vmem>>, vector<2000x512xf32>
    %convert_element_type3A_4 = arith.truncf %get3A_3 : vector<2000x512xf32> to vector<2000x512xbf16>
    %get3A_5 = arith.constant 0 : index
    %get3A_6 = arith.constant 0 : index
    %get3A_7 = vector.load %arg3[%get3A_5, %get3A_6] : memref<512x512xbf16, #tpu.memory_space<vmem>>, vector<512x512xbf16>
    %dot_general3A = arith.constant dense<0.000000e+00> : vector<2000x512xf32>
    %dot_general3A_8 = tpu.matmul %convert_element_type3A_4, %get3A_7, %dot_general3A {dimension_numbers = #tpu.dot_dimension_numbers<[1], [0], [0], [1], [0, 0, 1, 1], [], []>, transpose_lhs_hint = false} : vector<2000x512xbf16>, vector<512x512xbf16>, vector<2000x512xf32> -> vector<2000x512xf32>
    %get3A_9 = arith.constant 0 : index
    %get3A_10 = arith.constant 0 : index
    %get3A_11 = vector.load %arg4[%get3A_9, %get3A_10] : memref<1x512xf32, #tpu.memory_space<vmem>>, vector<1x512xf32>
    %add3A = vector.broadcast %get3A_11 : vector<1x512xf32> to vector<2000x512xf32>
    %add3A_12 = arith.addf %dot_general3A_8, %add3A : vector<2000x512xf32>
    %tanh3A = math.tanh %add3A_12 : vector<2000x512xf32>
    %convert_element_type3A_13 = arith.truncf %tanh3A : vector<2000x512xf32> to vector<2000x512xbf16>
    %get3A_14 = arith.constant 0 : index
    %get3A_15 = arith.constant 0 : index
    %get3A_16 = vector.load %arg5[%get3A_14, %get3A_15] : memref<512x1xbf16, #tpu.memory_space<vmem>>, vector<512x1xbf16>
    %dot_general3A_17 = arith.constant dense<0.000000e+00> : vector<2000x1xf32>
    %dot_general3A_18 = tpu.matmul %convert_element_type3A_13, %get3A_16, %dot_general3A_17 {dimension_numbers = #tpu.dot_dimension_numbers<[1], [0], [0], [1], [0, 0, 1, 1], [], []>, transpose_lhs_hint = false} : vector<2000x512xbf16>, vector<512x1xbf16>, vector<2000x1xf32> -> vector<2000x1xf32>
    %get3A_19 = arith.constant 0 : index
    %get3A_20 = arith.constant 0 : index
    %get3A_21 = vector.load %arg13[%get3A_19, %get3A_20] : memref<2000x1xf32, #tpu.memory_space<vmem>>, vector<2000x1xf32>
    %get3A_22 = arith.constant 0 : index
    %get3A_23 = arith.constant 0 : index
    %get3A_24 = arith.constant 0 : index
    %get3A_25 = vector.load %arg2[%get3A_22, %get3A_23, %get3A_24] : memref<1x1x2000xi32, #tpu.memory_space<vmem>>, vector<1x1x2000xi32>
    %reshape3A = vector.shape_cast %get3A_25 : vector<1x1x2000xi32> to vector<1x2000xi32>
    %reshape3A_26 = vector.shape_cast %reshape3A : vector<1x2000xi32> to vector<2000x1xi32>
    %iota3A = tpu.iota {dimensions = array<i32: 1>} : vector<2000x64xi32>
    %eq3A_27 = vector.broadcast %reshape3A_26 : vector<2000x1xi32> to vector<2000x64xi32>
    %eq3A_28 = arith.cmpi eq, %eq3A_27, %iota3A : vector<2000x64xi32>
    %convert_element_type3A_29 = arith.extui %eq3A_28 : vector<2000x64xi1> to vector<2000x64xi32>
    %convert_element_type3A_30 = arith.sitofp %convert_element_type3A_29 : vector<2000x64xi32> to vector<2000x64xf32>
    %convert_element_type3A_31 = arith.truncf %convert_element_type3A_30 : vector<2000x64xf32> to vector<2000x64xbf16>
    %iota3A_32 = tpu.iota {dimensions = array<i32: 0>} : vector<64x2000xi32>
    %eq3A_33 = vector.broadcast %reshape3A : vector<1x2000xi32> to vector<64x2000xi32>
    %eq3A_34 = arith.cmpi eq, %eq3A_33, %iota3A_32 : vector<64x2000xi32>
    %convert_element_type3A_35 = arith.extui %eq3A_34 : vector<64x2000xi1> to vector<64x2000xi32>
    %convert_element_type3A_36 = arith.sitofp %convert_element_type3A_35 : vector<64x2000xi32> to vector<64x2000xf32>
    %convert_element_type3A_37 = arith.truncf %convert_element_type3A_36 : vector<64x2000xf32> to vector<64x2000xbf16>
    %eq3A_38 = arith.constant 0 : i32
    %eq3A_39 = arith.cmpi eq, %arg0, %eq3A_38 : i32
    %jit3A = arith.constant 0xFF800000 : f32
    %broadcast_in_dim3A = vector.shape_cast %get3A_21 : vector<2000x1xf32> to vector<2000x1xf32>
    %broadcast_in_dim3A_40 = vector.broadcast %broadcast_in_dim3A : vector<2000x1xf32> to vector<2000x64xf32>
    %broadcast_in_dim3A_41 = vector.broadcast %jit3A : f32 to vector<2000x64xf32>
    %select_n3A = arith.select %eq3A_28, %broadcast_in_dim3A_40, %broadcast_in_dim3A_41 : vector<2000x64xi1>, vector<2000x64xf32>
    %reduce_max3A = arith.constant dense<0xFF800000> : vector<64xf32>
    %reduce_max3A_42 = vector.multi_reduction <maximumf>, %select_n3A, %reduce_max3A [0] : vector<2000x64xf32> to vector<64xf32>
    %broadcast_in_dim3A_43 = vector.shape_cast %reduce_max3A_42 : vector<64xf32> to vector<1x64xf32>
    %jit3A_44 = arith.constant 0xFF800000 : f32
    %broadcast_in_dim3A_45 = vector.broadcast %jit3A_44 : f32 to vector<1x64xf32>
    %select_n3A_46 = arith.select %eq3A_39, %broadcast_in_dim3A_45, %broadcast_in_dim3A_43 : vector<1x64xf32>
    %get3A_47 = arith.constant 0 : index
    %get3A_48 = arith.constant 0 : index
    %get3A_49 = vector.load %arg10[%get3A_47, %get3A_48] : memref<1x64xf32, #tpu.memory_space<vmem>>, vector<1x64xf32>
    %max3A = arith.maximumf %get3A_49, %select_n3A_46 : vector<1x64xf32>
    %convert_element_type3A_50 = arith.truncf %max3A : vector<1x64xf32> to vector<1x64xbf16>
    %convert_element_type3A_51 = arith.extf %convert_element_type3A_50 : vector<1x64xbf16> to vector<1x64xf32>
    %eq3A_52 = arith.constant 0xFF800000 : f32
    %eq3A_53 = vector.broadcast %eq3A_52 : f32 to vector<1x64xf32>
    %eq3A_54 = arith.cmpf oeq, %convert_element_type3A_51, %eq3A_53 : vector<1x64xf32>
    %jit3A_55 = arith.constant 0.000000e+00 : f32
    %broadcast_in_dim3A_56 = vector.broadcast %jit3A_55 : f32 to vector<1x64xf32>
    %select_n3A_57 = arith.select %eq3A_54, %broadcast_in_dim3A_56, %convert_element_type3A_51 : vector<1x64xi1>, vector<1x64xf32>
    %eq3A_58 = arith.constant 0xFF800000 : f32
    %eq3A_59 = vector.broadcast %eq3A_58 : f32 to vector<1x64xf32>
    %eq3A_60 = arith.cmpf oeq, %get3A_49, %eq3A_59 : vector<1x64xf32>
    %sub3A = arith.subf %get3A_49, %select_n3A_57 : vector<1x64xf32>
    %exp3A = math.exp %sub3A : vector<1x64xf32>
    %jit3A_61 = arith.constant 0.000000e+00 : f32
    %broadcast_in_dim3A_62 = vector.broadcast %jit3A_61 : f32 to vector<1x64xf32>
    %select_n3A_63 = arith.select %eq3A_60, %broadcast_in_dim3A_62, %exp3A : vector<1x64xi1>, vector<1x64xf32>
    %reshape3A_64 = vector.shape_cast %select_n3A_63 : vector<1x64xf32> to vector<64x1xf32>
    %swap3A = arith.constant 0 : index
    %swap3A_65 = arith.constant 0 : index
    %swap3A_66 = vector.load %arg10[%swap3A, %swap3A_65] : memref<1x64xf32, #tpu.memory_space<vmem>>, vector<1x64xf32>
    tpu.vector_store %arg10[%swap3A, %swap3A_65], %convert_element_type3A_51 {strides = array<i32>} : memref<1x64xf32, #tpu.memory_space<vmem>>, vector<1x64xf32>,
    %reshape3A_67 = vector.shape_cast %select_n3A_57 : vector<1x64xf32> to vector<64x1xf32>
    %convert_element_type3A_68 = arith.truncf %reshape3A_67 : vector<64x1xf32> to vector<64x1xbf16>
    %dot_general3A_69 = arith.constant dense<0.000000e+00> : vector<2000x1xf32>
    %dot_general3A_70 = tpu.matmul %convert_element_type3A_31, %convert_element_type3A_68, %dot_general3A_69 {dimension_numbers = #tpu.dot_dimension_numbers<[1], [0], [0], [1], [0, 0, 1, 1], [], []>, transpose_lhs_hint = false} : vector<2000x64xbf16>, vector<64x1xbf16>, vector<2000x1xf32> -> vector<2000x1xf32>
    %sub3A_71 = arith.subf %get3A_21, %dot_general3A_70 : vector<2000x1xf32>
    %exp3A_72 = math.exp %sub3A_71 : vector<2000x1xf32>
    %convert_element_type3A_73 = arith.truncf %exp3A_72 : vector<2000x1xf32> to vector<2000x1xbf16>
    %dot_general3A_74 = arith.constant dense<0.000000e+00> : vector<64x1xf32>
    %dot_general3A_75 = tpu.matmul %convert_element_type3A_37, %convert_element_type3A_73, %dot_general3A_74 {dimension_numbers = #tpu.dot_dimension_numbers<[1], [0], [0], [1], [0, 0, 1, 1], [], []>, transpose_lhs_hint = false} : vector<64x2000xbf16>, vector<2000x1xbf16>, vector<64x1xf32> -> vector<64x1xf32>
    %get3A_76 = arith.constant 0 : index
    %get3A_77 = arith.constant 0 : index
    %get3A_78 = vector.load %arg11[%get3A_76, %get3A_77] : memref<64x1xf32, #tpu.memory_space<vmem>>, vector<64x1xf32>
    %mul3A = arith.mulf %get3A_78, %reshape3A_64 : vector<64x1xf32>
    %jit3A_79 = arith.constant 0.000000e+00 : f32
    %broadcast_in_dim3A_80 = vector.broadcast %jit3A_79 : f32 to vector<64x1xf32>
    %select_n3A_81 = arith.select %eq3A_39, %broadcast_in_dim3A_80, %dot_general3A_75 : vector<64x1xf32>
    %add3A_82 = arith.addf %mul3A, %select_n3A_81 : vector<64x1xf32>
    %swap3A_83 = arith.constant 0 : index
    %swap3A_84 = arith.constant 0 : index
    %swap3A_85 = vector.load %arg11[%swap3A_83, %swap3A_84] : memref<64x1xf32, #tpu.memory_space<vmem>>, vector<64x1xf32>
    tpu.vector_store %arg11[%swap3A_83, %swap3A_84], %add3A_82 {strides = array<i32>} : memref<64x1xf32, #tpu.memory_space<vmem>>, vector<64x1xf32>,
    %get3A_86 = arith.constant 0 : index
    %get3A_87 = arith.constant 0 : index
    %get3A_88 = vector.load %arg14[%get3A_86, %get3A_87] : memref<2000x512xbf16, #tpu.memory_space<vmem>>, vector<2000x512xbf16>
    %mul3A_89 = vector.broadcast %convert_element_type3A_73 : vector<2000x1xbf16> to vector<2000x512xbf16>
    %mul3A_90 = arith.mulf %get3A_88, %mul3A_89 : vector<2000x512xbf16>
    %dot_general3A_91 = arith.constant dense<0.000000e+00> : vector<64x512xf32>
    %dot_general3A_92 = tpu.matmul %convert_element_type3A_37, %mul3A_90, %dot_general3A_91 {dimension_numbers = #tpu.dot_dimension_numbers<[1], [0], [0], [1], [0, 0, 1, 1], [], []>, transpose_lhs_hint = false} : vector<64x2000xbf16>, vector<2000x512xbf16>, vector<64x512xf32> -> vector<64x512xf32>
    %get3A_93 = arith.constant 0 : index
    %get3A_94 = arith.constant 0 : index
    %get3A_95 = vector.load %arg12[%get3A_93, %get3A_94] : memref<64x512xf32, #tpu.memory_space<vmem>>, vector<64x512xf32>
    %mul3A_96 = vector.broadcast %reshape3A_64 : vector<64x1xf32> to vector<64x512xf32>
    %mul3A_97 = arith.mulf %get3A_95, %mul3A_96 : vector<64x512xf32>
    %jit3A_98 = arith.constant 0.000000e+00 : f32
    %broadcast_in_dim3A_99 = vector.broadcast %jit3A_98 : f32 to vector<64x512xf32>
    %select_n3A_100 = arith.select %eq3A_39, %broadcast_in_dim3A_99, %dot_general3A_92 : vector<64x512xf32>
    %add3A_101 = arith.addf %mul3A_97, %select_n3A_100 : vector<64x512xf32>
    %swap3A_102 = arith.constant 0 : index
    %swap3A_103 = arith.constant 0 : index
    %swap3A_104 = vector.load %arg12[%swap3A_102, %swap3A_103] : memref<64x512xf32, #tpu.memory_space<vmem>>, vector<64x512xf32>
    tpu.vector_store %arg12[%swap3A_102, %swap3A_103], %add3A_101 {strides = array<i32>} : memref<64x512xf32, #tpu.memory_space<vmem>>, vector<64x512xf32>,
    %reshape3A_105 = vector.shape_cast %dot_general3A_18 : vector<2000x1xf32> to vector<1x1x2000xf32>
    %swap3A_106 = arith.constant 0 : index
    %swap3A_107 = arith.constant 0 : index
    %swap3A_108 = arith.constant 0 : index
    %swap3A_109 = vector.load %arg6[%swap3A_106, %swap3A_107, %swap3A_108] : memref<1x1x2000xf32, #tpu.memory_space<vmem>>, vector<1x1x2000xf32>
    tpu.vector_store %arg6[%swap3A_106, %swap3A_107, %swap3A_108], %reshape3A_105 {strides = array<i32>} : memref<1x1x2000xf32, #tpu.memory_space<vmem>>, vector<1x1x2000xf32>,
    %swap3A_110 = arith.constant 0 : index
    %swap3A_111 = arith.constant 0 : index
    %swap3A_112 = vector.load %arg13[%swap3A_110, %swap3A_111] : memref<2000x1xf32, #tpu.memory_space<vmem>>, vector<2000x1xf32>
    tpu.vector_store %arg13[%swap3A_110, %swap3A_111], %dot_general3A_18 {strides = array<i32>} : memref<2000x1xf32, #tpu.memory_space<vmem>>, vector<2000x1xf32>,
    %swap3A_113 = arith.constant 0 : index
    %swap3A_114 = arith.constant 0 : index
    %swap3A_115 = vector.load %arg14[%swap3A_113, %swap3A_114] : memref<2000x512xbf16, #tpu.memory_space<vmem>>, vector<2000x512xbf16>
    tpu.vector_store %arg14[%swap3A_113, %swap3A_114], %convert_element_type3A_4 {strides = array<i32>} : memref<2000x512xbf16, #tpu.memory_space<vmem>>, vector<2000x512xbf16>,
    %eq3A_116 = arith.constant 25 : i32
    %eq3A_117 = arith.cmpi eq, %arg0, %eq3A_116 : i32
    %convert_element_type3A_118 = arith.extui %eq3A_117 : i1 to i32
    %cond3A_119 = arith.constant 0 : i32
    %cond3A_120 = arith.cmpi ne, %convert_element_type3A_118, %cond3A_119 : i32
    scf.if %cond3A_120 {
      %get3A_121 = arith.constant 0 : index
      %get3A_122 = arith.constant 0 : index
      %get3A_123 = vector.load %arg11[%get3A_121, %get3A_122] : memref<64x1xf32, #tpu.memory_space<vmem>>, vector<64x1xf32>
      %get3A_124 = arith.constant 0 : index
      %get3A_125 = arith.constant 0 : index
      %get3A_126 = vector.load %arg12[%get3A_124, %get3A_125] : memref<64x512xf32, #tpu.memory_space<vmem>>, vector<64x512xf32>
      %add3A_127 = arith.constant 1.000000e-16 : f32
      %add3A_128 = vector.broadcast %add3A_127 : f32 to vector<64x1xf32>
      %add3A_129 = arith.addf %get3A_123, %add3A_128 : vector<64x1xf32>
      %div3A = arith.constant 1.000000e+00 : f32
      %div3A_130 = vector.broadcast %div3A : f32 to vector<64x1xf32>
      %div3A_131 = arith.divf %div3A_130, %add3A_129 : vector<64x1xf32>
      %mul3A_132 = vector.broadcast %div3A_131 : vector<64x1xf32> to vector<64x512xf32>
      %mul3A_133 = arith.mulf %get3A_126, %mul3A_132 : vector<64x512xf32>
      %swap3A_134 = arith.constant 0 : index
      %swap3A_135 = arith.constant 0 : index
      %swap3A_136 = vector.load %arg7[%swap3A_134, %swap3A_135] : memref<64x512xf32, #tpu.memory_space<vmem>>, vector<64x512xf32>
      tpu.vector_store %arg7[%swap3A_134, %swap3A_135], %mul3A_133 {strides = array<i32>} : memref<64x512xf32, #tpu.memory_space<vmem>>, vector<64x512xf32>,
      %get3A_137 = arith.constant 0 : index
      %get3A_138 = arith.constant 0 : index
      %get3A_139 = vector.load %arg10[%get3A_137, %get3A_138] : memref<1x64xf32, #tpu.memory_space<vmem>>, vector<1x64xf32>
      %eq3A_140 = arith.constant 0xFF800000 : f32
      %eq3A_141 = vector.broadcast %eq3A_140 : f32 to vector<1x64xf32>
      %eq3A_142 = arith.cmpf oeq, %get3A_139, %eq3A_141 : vector<1x64xf32>
      %get3A_143 = arith.constant 0 : index
      %get3A_144 = arith.constant 0 : index
      %get3A_145 = vector.load %arg10[%get3A_143, %get3A_144] : memref<1x64xf32, #tpu.memory_space<vmem>>, vector<1x64xf32>
      %jit3A_146 = arith.constant 0.000000e+00 : f32
      %broadcast_in_dim3A_147 = vector.broadcast %jit3A_146 : f32 to vector<1x64xf32>
      %select_n3A_148 = arith.select %eq3A_142, %broadcast_in_dim3A_147, %get3A_145 : vector<1x64xi1>, vector<1x64xf32>
      %reshape3A_149 = vector.shape_cast %select_n3A_148 : vector<1x64xf32> to vector<64x1xf32>
      %add3A_150 = arith.constant 1.000000e-16 : f32
      %add3A_151 = vector.broadcast %add3A_150 : f32 to vector<64x1xf32>
      %add3A_152 = arith.addf %get3A_123, %add3A_151 : vector<64x1xf32>
      %log3A = math.log %add3A_152 : vector<64x1xf32>
      %add3A_153 = arith.addf %reshape3A_149, %log3A : vector<64x1xf32>
      %convert_element_type3A_154 = arith.truncf %add3A_153 : vector<64x1xf32> to vector<64x1xbf16>
      %convert_element_type3A_155 = arith.extf %convert_element_type3A_154 : vector<64x1xbf16> to vector<64x1xf32>
      %sub3A_156 = arith.subf %add3A_153, %convert_element_type3A_155 : vector<64x1xf32>
      %convert_element_type3A_157 = arith.truncf %sub3A_156 : vector<64x1xf32> to vector<64x1xbf16>
      %reshape3A_158 = vector.shape_cast %convert_element_type3A_154 : vector<64x1xbf16> to vector<1x64xbf16>
      %reshape3A_159 = vector.shape_cast %convert_element_type3A_157 : vector<64x1xbf16> to vector<1x64xbf16>
      %concatenate3A = tpu.concatenate %reshape3A_158, %reshape3A_159 in 0 : vector<1x64xbf16>, vector<1x64xbf16> -> vector<2x64xbf16>
      %swap3A_160 = arith.constant 0 : index
      %swap3A_161 = arith.constant 0 : index
      %swap3A_162 = vector.load %arg8[%swap3A_160, %swap3A_161] : memref<2x64xbf16, #tpu.memory_space<vmem>>, vector<2x64xbf16>
      tpu.vector_store %arg8[%swap3A_160, %swap3A_161], %concatenate3A {strides = array<i32>} : memref<2x64xbf16, #tpu.memory_space<vmem>>, vector<2x64xbf16>,
      %reshape3A_163 = vector.shape_cast %add3A_153 : vector<64x1xf32> to vector<1x64xf32>
      %swap3A_164 = arith.constant 0 : index
      %swap3A_165 = arith.constant 0 : index
      %swap3A_166 = vector.load %arg9[%swap3A_164, %swap3A_165] : memref<1x64xf32, #tpu.memory_space<vmem>>, vector<1x64xf32>
      tpu.vector_store %arg9[%swap3A_164, %swap3A_165], %reshape3A_163 {strides = array<i32>} : memref<1x64xf32, #tpu.memory_space<vmem>>, vector<1x64xf32>,
    } else {
    }
    return
  }
  func.func @transform_0(%arg0: i32) -> (i32, i32) {
    %min3A = arith.constant 24 : i32
    %min3A_0 = arith.minsi %arg0, %min3A : i32
    %c0_i32 = arith.constant 0 : i32
    %c0_i32_1 = arith.constant 0 : i32
    return %min3A_0, %c0_i32 : i32, i32
  }
  func.func @transform_1(%arg0: i32) -> (i32, i32, i32) {
    %sub3A = arith.constant 1 : i32
    %sub3A_0 = arith.subi %arg0, %sub3A : i32
    %jit3A = arith.constant 0 : i32
    %jit3A_1 = arith.constant 24 : i32
    %max3A = arith.maxsi %jit3A, %sub3A_0 : i32
    %min3A = arith.minsi %jit3A_1, %max3A : i32
    %c0_i32 = arith.constant 0 : i32
    %c0_i32_2 = arith.constant 0 : i32
    %c0_i32_3 = arith.constant 0 : i32
    return %min3A, %c0_i32, %c0_i32_2 : i32, i32, i32
  }
  func.func @transform_2(%arg0: i32) -> (i32, i32) {
    %c0_i32 = arith.constant 0 : i32
    %c0_i32_0 = arith.constant 0 : i32
    %c0_i32_1 = arith.constant 0 : i32
    return %c0_i32, %c0_i32_0 : i32, i32
  }
  func.func @transform_3(%arg0: i32) -> (i32, i32) {
    %c0_i32 = arith.constant 0 : i32
    %c0_i32_0 = arith.constant 0 : i32
    %c0_i32_1 = arith.constant 0 : i32
    return %c0_i32, %c0_i32_0 : i32, i32
  }
  func.func @transform_4(%arg0: i32) -> (i32, i32) {
    %c0_i32 = arith.constant 0 : i32
    %c0_i32_0 = arith.constant 0 : i32
    %c0_i32_1 = arith.constant 0 : i32
    return %c0_i32, %c0_i32_0 : i32, i32
  }
  func.func @transform_5(%arg0: i32) -> (i32, i32, i32) {
    %min3A = arith.constant 24 : i32
    %min3A_0 = arith.minsi %arg0, %min3A : i32
    %c0_i32 = arith.constant 0 : i32
    %c0_i32_1 = arith.constant 0 : i32
    %c0_i32_2 = arith.constant 0 : i32
    return %min3A_0, %c0_i32, %c0_i32_1 : i32, i32, i32
  }
  func.func @transform_6(%arg0: i32) -> (i32, i32) {
    %c0_i32 = arith.constant 0 : i32
    %c0_i32_0 = arith.constant 0 : i32
    %c0_i32_1 = arith.constant 0 : i32
    return %c0_i32, %c0_i32_0 : i32, i32
  }
  func.func @transform_7(%arg0: i32) -> (i32, i32) {
    %c0_i32 = arith.constant 0 : i32
    %c0_i32_0 = arith.constant 0 : i32
    %c0_i32_1 = arith.constant 0 : i32
    return %c0_i32, %c0_i32_0 : i32, i32
  }
  func.func @transform_8(%arg0: i32) -> (i32, i32) {
    %c0_i32 = arith.constant 0 : i32
    %c0_i32_0 = arith.constant 0 : i32
    %c0_i32_1 = arith.constant 0 : i32
    return %c0_i32, %c0_i32_0 : i32, i32
  }
}

</mosaic_0001>

<sc_bundles>
// kernel: kernel.4.cloned.1.call-start
scs
__scs_entry_jumppad:
0x0: {  	(pc) =	sbr.rel $0x88, $3  }
0x1: {  	(tag) =	ssettag $0x0;
	lr =	simm.s32 $0x1  }
0x2: {  	[smem:$0x3F9C] =	sst lr;
	_ =	strace $0xD0000000  }
0x3: {  	_ = 	snop  }
0x4: {  	_ = 	snop  }
0x5: {  	_ = 	snop  }
0x6: {  	_ = 	snop  }
0x7: {  	_ = 	snop  }
__scs_overlays_trampoline_lowered:
0x8: {  	[smem:$0x3FAB] =	sst s0  }
0x9: {  	[smem:$0x3FAC] =	sst s1  }
0xa: {  	[smem:$0x3FAD] =	sst s2  }
0xb: {  	[smem:$0x3FAE] =	sst s3  }
0xc: {  	[smem:$0x3FAF] =	sst s4  }
0xd: {  	[smem:$0x3FB0] =	sst s5  }
0xe: {  	[smem:$0x3FB1] =	sst s6  }
0xf: {  	[smem:$0x3FB2] =	sst s7  }
0x10: {  	[smem:$0x3FB3] =	sst s8  }
0x11: {  	[smem:$0x3FB4] =	sst s9;
	s0 =	simm.s32 @!p0 $0x0  }
0x12: {  	s1 =	sld [smem:$0x3F9A];
	s0 =	simm.s32 @p0 $0x1  }
0x13: {  	[smem:$0x3FB5] =	sst s0;
	s0 =	simm.s32 @!p1 $0x0  }
0x14: {  	s2 =	sld [smem:$0x3F99];
	s0 =	simm.s32 @p1 $0x1  }
0x15: {  	[smem:$0x3FB6] =	sst s0;
	s0 =	simm.s32 @!p2 $0x0  }
0x16: {  	s3 =	sld [smem:$0x3FDB];
	s0 =	simm.s32 @p2 $0x1  }
0x17: {  	s4 =	simm.s32 $0x1BF5;
	[smem:$0x3FB8] =	sst s0  }
0x18: {  	s0 =	sld [smem:$0x3F9B];
	_ =	swait.ge [sflag:s4], $0x0  }
0x19: {  	s7 =	sld [smem:$0x3F9C]  }
0x1a: {  	s8 =	sadd.s32 $0xFFFFE003, lr  }
0x1b: {  	s9 =	sadd.s32 $0xFFFFFEF7, lr;
	s5 =	simm.s32 $0xFFFFFFFF;
	p2 =	slt.u32 s8, $0xFFFFF086  }
0x1c: {  	p1 =	slt.u32 s9, $0xF7A;
	s5 =	simm.s32 @!p2 $0x0  }
0x1d: {  	s5 =	simm.s32 @p1 $0x1;
	p0 =	seq.s32 s7, s2  }
0x1e: {  	s7 =	smul.u32 @!p0 $0xF7A, s2;
	p2 =	seq.s32 @!p0 s5, $0x0  }
0x1f: {  	s9 =	smul.u32 $0xF7A, s1;
	s8 =	simm.s32 @!p0 $0x1BF5;
	p2 =	por !p2, p0  }
0x20: {  	[sflag:s8] =	ssyncset.s32 @!p0 $0xFFFFF086;
	s6 =	sadd.s32 @!p0 s3, s7;
	s7 =	simm.s32 @!p0 $0x108  }
0x21: {  	s3 =	sadd.s32 s3, s9;
	s6 =	sadd.s32 @!p0 $0x88, s6;
	s7 =	simm.s32 @p2 $0x1082  }
0x22: {  	[simem:s7], [sflag:s8] =	dma.local @!p0 [hbm:s6], $0xF7A  }
0x23: {  	s9 =	sor.u32 $0xD0000000, s2;
	s6 =	simm.s32 $0x108;
	_ =	swait.ge @!p0 [sflag:s8], $0x0  }
0x24: {  	s3 =	sadd.s32 $0x88, s3;
	s6 =	simm.s32 @!p1 $0x1082;
	[sflag:s4] =	ssyncset.s32 $0xFFFFF086  }
0x25: {  	[simem:s6], [sflag:s4] =	dma.local [hbm:s3], $0xF7A  }
0x26: {  	[smem:$0x3F9C] =	sst s1;
	(tag) =	ssettag s2;
	_ =	strace s9  }
0x27: {  	s1 =	sld [smem:$0x3FAC]  }
0x28: {  	s2 =	sld [smem:$0x3FAD]  }
0x29: {  	s4 =	sld [smem:$0x3FAF]  }
0x2a: {  	p0 =	seq.s32 s5, $0x0;
	s5 =	sld [smem:$0x3FB0]  }
0x2b: {  	s6 =	sld [smem:$0x3FB1]  }
0x2c: {  	s7 =	sld [smem:$0x3FB2]  }
0x2d: {  	s3 =	simm.s32 $0x108;
	s8 =	sld [smem:$0x3FB3]  }
0x2e: {  	s3 =	simm.s32 @!p0 $0x1082;
	s9 =	sld [smem:$0x3FB4]  }
0x2f: {  	lr =	sadd.s32 s0, s3;
	s0 =	sld [smem:$0x3FAB]  }
0x30: {  	s3 =	sld [smem:$0x3FAE]  }
0x31: {  	[smem:$0x3FB7] =	sst s10  }
0x32: {  	s10 =	sld [smem:$0x3FB5];
	_ =	sdelay $0x3  }
0x33: {  	p0 =	seq.s32 s10, $0x1;
	s10 =	sld [smem:$0x3FB7];
	_ =	sdelay $0x3  }
0x34: {  	[smem:$0x3FB7] =	sst s10  }
0x35: {  	s10 =	sld [smem:$0x3FB6];
	_ =	sdelay $0x3  }
0x36: {  	p1 =	seq.s32 s10, $0x1;
	s10 =	sld [smem:$0x3FB7];
	_ =	sdelay $0x3  }
0x37: {  	[smem:$0x3FB7] =	sst s10  }
0x38: {  	s10 =	sld [smem:$0x3FB8]  }
0x39: {  	_ = 	snop;
	(pc) =	sbr.ind lr, $3  }
0x3a: {  	_ = 	snop  }
0x3b: {  	_ = 	snop  }
0x3c: {  	p2 =	seq.s32 s10, $0x1;
	s10 =	sld [smem:$0x3FB7]  }
0x3d: {  	_ =	shalt  }
0x3e: {  	_ =	shalt  }
0x3f: {  	_ =	shalt  }
0x40: {  	_ =	shalt  }
0x41: {  	_ =	shalt  }
0x42: {  	_ =	shalt  }
0x43: {  	_ =	shalt  }
0x44: {  	_ =	shalt  }
0x45: {  	_ =	shalt  }
0x46: {  	_ =	shalt  }
0x47: {  	_ =	shalt  }
0x48: {  	_ =	shalt  }
0x49: {  	_ =	shalt  }
0x4a: {  	_ =	shalt  }
0x4b: {  	_ =	shalt  }
0x4c: {  	_ =	shalt  }
0x4d: {  	_ =	shalt  }
0x4e: {  	_ =	shalt  }
0x4f: {  	_ =	shalt  }
0x50: {  	_ =	shalt  }
0x51: {  	_ =	shalt  }
0x52: {  	_ =	shalt  }
0x53: {  	_ =	shalt  }
0x54: {  	_ =	shalt  }
0x55: {  	_ =	shalt  }
0x56: {  	_ =	shalt  }
0x57: {  	_ =	shalt  }
0x58: {  	_ =	shalt  }
0x59: {  	_ =	shalt  }
0x5a: {  	_ =	shalt  }
0x5b: {  	_ =	shalt  }
0x5c: {  	_ =	shalt  }
0x5d: {  	_ =	shalt  }
0x5e: {  	_ =	shalt  }
0x5f: {  	_ =	shalt  }
0x60: {  	_ =	shalt  }
0x61: {  	_ =	shalt  }
0x62: {  	_ =	shalt  }
0x63: {  	_ =	shalt  }
0x64: {  	_ =	shalt  }
0x65: {  	_ =	shalt  }
0x66: {  	_ =	shalt  }
0x67: {  	_ =	shalt  }
0x68: {  	_ =	shalt  }
0x69: {  	_ =	shalt  }
0x6a: {  	_ =	shalt  }
0x6b: {  	_ =	shalt  }
0x6c: {  	_ =	shalt  }
0x6d: {  	_ =	shalt  }
0x6e: {  	_ =	shalt  }
0x6f: {  	_ =	shalt  }
0x70: {  	_ =	shalt  }
0x71: {  	_ =	shalt  }
0x72: {  	_ =	shalt  }
0x73: {  	_ =	shalt  }
0x74: {  	_ =	shalt  }
0x75: {  	_ =	shalt  }
0x76: {  	_ =	shalt  }
0x77: {  	_ =	shalt  }
0x78: {  	_ =	shalt  }
0x79: {  	_ =	shalt  }
0x7a: {  	_ =	shalt  }
0x7b: {  	_ =	shalt  }
0x7c: {  	_ =	shalt  }
0x7d: {  	_ =	shalt  }
0x7e: {  	_ =	shalt  }
0x7f: {  	_ =	shalt  }
0x80: {  	_ =	shalt  }
0x81: {  	_ =	shalt  }
0x82: {  	_ =	shalt  }
0x83: {  	_ =	shalt  }
0x84: {  	_ =	shalt  }
0x85: {  	_ =	shalt  }
0x86: {  	_ =	shalt  }
0x87: {  	_ =	shalt  }
.Lfunc_end0:
.L_simem_size_0:
called_computation_lowered:
.L_overlay_start_0:
0x88: {  	s2 =	sld [smem:$0x3FD9]  }
0x89: {  	s3 =	sld [smem:$0x3FFE];
	_ =	sdelay $0x1  }
0x8a: {  	s1 =	srdreg.scid  }
0x8b: {  	s0 =	sand.u32 $0x1, s1  }
0x8c: {  	s14 =	sshll.u32 s0, $0xA;
	s2 =	sadd.s32 s3, s2  }
0x8d: {  	s2 =	sadd.s32 s2, s14  }
0x8e: {  	[smem:$0x3FC3] =	sst s2  }
0x8f: {  	_ = 	snop  }
0x90: {  	s2 =	sld [smem:$0x3FD0];
	_ =	sdelay $0x2  }
0x91: {  	s15 =	simm.s32 $0xA;
	s4 =	simm.s32 $0x10  }
0x92: {  	[smem:s4], [sflag:s15] =	dma.local [hbm:s2], $0x1  }
0x93: {  	_ =	swait.eq [sflag:s15], $0x1  }
0x94: {  	[sflag:s15] =	ssyncset.done $0x0  }
0x95: {  	[sflag:s15] =	ssyncadd.s32 $0xFFFFFFFF  }
0x96: {  	s16 =	sld [smem:$0x11];
	(tm) =	ssettm $0x1  }
0x97: {  	s17 =	sld [smem:$0x3FFB];
	_ =	sdelay $0x3  }
0x98: {  	_ =	strace s17  }
0x99: {  	s3 =	sld [smem:$0x3FFC];
	_ =	sdelay $0x3  }
0x9a: {  	_ =	strace s3  }
0x9b: {  	s3 =	sld [smem:$0x3FFD];
	_ =	sdelay $0x3  }
0x9c: {  	_ =	strace s3  }
0x9d: {  	_ =	strace $0x8FFFFFFF  }
0x9e: {  	s18 =	sld [smem:$0x3FDB];
	_ =	sdelay $0x1  }
0x9f: {  	s19 =	simm.s32 $_scs_section_size  }
0xa0: {  	s5 =	simm.s32 $_size__tile_overlayer_lowered;
	s6 =	simm.s32 $_tile_overlayer_lowered  }
0xa1: {  	s22 =	simm.s32 $0x1BFF;
	s21 =	sshll.u32 s6, $0x1;
	s3 =	sadd.s32 s19, s18  }
0xa2: {  	s7 =	simm.s32 $0x0;
	s20 =	sshll.u32 s5, $0x1;
	s5 =	sadd.s32 s21, s3  }
0xa3: {  	[timem:s7], [sflag:s22] =	dma.local [hbm:s5], s20  }
0xa4: {  	_ =	swait.ge [sflag:s22], s20  }
0xa5: {  	s4 =	ssub.s32 $0x0, s20;
	[sflag:s22] =	ssyncset.done $0x0  }
0xa6: {  	[sflag:s22] =	ssyncadd.s32 s4;
	_ =	sdelay $0x1  }
0xa7: {  	s23 =	simm.s32 $0x1B8B  }
0xa8: {  	_ =	swait.ge [sflag:s23], $0x1  }
0xa9: {  	[sflag:s23] =	ssyncset.done $0x0  }
0xaa: {  	s25 =	simm.s32 $0x1B8E;
	s24 =	sld [smem:$0x3FFE];
	[sflag:s23] =	ssyncadd.s32 $0xFFFFFFFF  }
0xab: {  	s26 =	simm.s32 $execute0_lowered;
	[smem:$0x3FD2] =	sst s25  }
0xac: {  	s5 =	sshll.u32 s26, $0x1;
	_ =	strace $0x80000046;
	[dreg:$0x1] =	wrdreg $0xFFFFFFFF  }
0xad: {  	s28 =	simm.s32 $_size_execute0_lowered;
	s3 =	sadd.s32 s3, s5;
	[dreg:$0x0] =	wrdreg $0x0  }
0xae: {  	s5 =	sshll.u32 s28, $0x1;
	[dreg:$0x2] =	wrdreg s3  }
0xaf: {  	[dreg:$0x3] =	wrdreg s5  }
0xb0: {  	[dreg:$0x4] =	wrdreg $0xC0  }
0xb1: {  	_ =	task [dreg:s7], $0x5FFFF  }
0xb2: {  	[dreg:$0x1] =	wrdreg $0xFFFFFFFF  }
0xb3: {  	[dreg:$0x0] =	wrdreg $0x60  }
0xb4: {  	[dreg:$0x2] =	wrdreg s24  }
0xb5: {  	[dreg:$0x3] =	wrdreg s16  }
0xb6: {  	[dreg:$0x4] =	wrdreg $0x9  }
0xb7: {  	_ =	task.clear_ibuf [dreg:s7], $0x5FFFF;
	_ =	strace $0x90000046  }
0xb8: {  	s29 =	simm.s32 $0x9;
	_ =	strace $0x80000048  }
0xb9: {  	_ =	swait.ge [sflag:s29], $0x1  }
0xba: {  	[sflag:s29] =	ssyncadd.s32 $0xFFFFFFFF  }
0xbb: {  	_ =	strace $0x90000048  }
0xbc: {  	_ =	sfence  }
0xbd: {  	s30 =	sld [smem:$0x0];
	_ =	sdelay $0x2  }
0xbe: {  	s31 =	sshll.u32 s1, $0xD;
	s1 =	sshrl.u32 s1, $0x2  }
0xbf: {  	s3 =	sand.u32 $0x4000, s31;
	s1 =	sadd.s32 s1, s30  }
0xc0: {  	s0 =	sor.u32 s3, s0;
	s1 =	sshll.u32 s1, $0x11  }
0xc1: {  	s0 =	sor.u32 s1, s0  }
0xc2: {  	s0 =	sadd.s32 $0x8F2B, s0  }
0xc3: {  	[sflag:s0] =	ssyncadd.remote.s32 $0x1  }
0xc4: {  	_ =	sfence.sel $0xFFFF  }
0xc5: {  	[dreg:$0x0] =	wrdreg $0xFFFFFFFF;
	(pc) =	sbr.abs _section_cstart, $3  }
0xc6: {  	[dreg:$0x1] =	wrdreg $0xFFFFFFFF  }
0xc7: {  	_ =	task.clear_ibuf [dreg:s7], $0x2FFFF;
	_ =	strace $0x9FFFFFFF  }
0xc8: {  	(tm) =	ssettm $0x7FFFFFFF  }
0xc9: {  	_ =	shalt  }
tec
execute0_lowered:
.L_overlay_start_1:
0x0: {  	(tag) =	ssettag $0x1  }
0x1: {  	s3 =	rddreg [dreg:$0x0];
	s1 =	srdreg.scid  }
0x2: {  	s0 =	stileid.u32;
	s6 =	rddreg [dreg:$0x1]  }
0x3: {  	s2 =	simm.s32 $0x0;
	s9 =	simm.s32 $0x620;
	s10 =	simm.s32 $0xD00  }
0x4: {  	s11 =	simm.s32 $0x1;
	s4 =	sand.u32 $0x1, s1;
	s5 =	sshll.u32 s0, $0x1  }
0x5: {  	s12 =	simm.s32 $0x680;
	s13 =	simm.s32 $0x1380;
	s5 =	sor.u32 s4, s5  }
0x6: {  	s1 =	rddreg [dreg:$0x2];
	s4 =	ssub.s32 $0x2, s4;
	s7 =	smul.u32 $0xC4, s5  }
0x7: {  	s14 =	simm.s32 $0x0;
	[smem:$0x7FF] =	sst s2;
	s8 =	sshrl.u32 s4, $0x1  }
0x8: {  	_ =	strace $0x80000047;
	s8 =	ssub.s32 s4, s8;
	s5 =	sadd.s32 s7, s3  }
0x9: {  	s3 =	sadd.s32 $0x800, s3;
	s6 =	sadd.s32 s6, s7;
	s7 =	smax.u32 s8, $0x1  }
0xa: {  	s8 =	simm.s32 $0x2;
	s4 =	sadd.s32 $0xA00, s5;
	s5 =	sadd.s32 $0x2400, s5  }
.LBB2_1:
0xb: {  	[tilespmem:s2], [sflag:$0x2] =	stream.linear.gather [hbm4b:s4+s2], $0x620, $0x38;
	[tilespmem:$0x1A00] =	vst v63  }
0xc: {  	_ =	swait.ge [sflag:s8], $0x620  }
0xd: {  	[sflag:s8] =	ssyncset.done $0x0  }
0xe: {  	[sflag:s8] =	ssyncadd.s32 $0xFFFFF9E0  }
0xf: {  	[tilespmem:s10], [sflag:$0x1] =	stream.indirect.gather [hbm4b:s3+s9], $0x1, s2, s9, $0xb8;
	[tilespmem:$0x1A00] =	vst v63  }
0x10: {  	_ =	swait.ge [sflag:s11], $0x620  }
0x11: {  	[sflag:s11] =	ssyncset.done $0x0  }
0x12: {  	[sflag:s11] =	ssyncadd.s32 $0xFFFFF9E0  }
0x13: {  	[tilespmem:s12], [sflag:$0x2] =	stream.linear.gather [hbm4b:s5+s2], $0x620, $0x38;
	[tilespmem:$0x1A00] =	vst v63  }
0x14: {  	_ =	swait.ge [sflag:s8], $0x620  }
0x15: {  	[sflag:s8] =	ssyncset.done $0x0  }
0x16: {  	s15 =	simm.s32 $0x0;
	[sflag:s8] =	ssyncadd.s32 $0xFFFFF9E0  }
0x17: {  	v0 =	vld [tilespmem:s15+$0x680]  }
0x18: {  	v1 =	vld [tilespmem:s15+$0xD00]  }
0x19: {  	s16 =	simm.s32 $0x10  }
0x1a: {  	v2 =	vld [tilespmem:s16+$0x680]  }
0x1b: {  	v3 =	vld [tilespmem:s16+$0xD00];
	_ =	sdelay $0x1  }
0x1c: {  	v0 =	vsub.f32 v0, v1;
	_ =	sdelay $0x1  }
0x1d: {  	v0 =	vmul.f32 $1.442695020e+00, v0  }
0x1e: {  	v1 =	vsub.f32 v2, v3  }
0x1f: {  	(erf) = vpow2.f32 v0  }
0x20: {  	s17 =	simm.s32 $0x20;
	v2 =	vmul.f32 $1.442695020e+00, v1  }
0x21: {  	v1 =	vld [tilespmem:s17+$0xD00]  }
0x22: {  	v0 =	vld [tilespmem:s17+$0x680];
	(erf) = vpow2.f32 v2;
	_ =	sdelay $0x2  }
0x23: {  	s18 =	simm.s32 $0xC0  }
.LBB2_2:
0x24: {  	s19 =	sshra.s32 s18, $0x2;
	p0 =	sne.s32 s18, $0x1840  }
.Ltmp0:
0x25: {  	s18 =	sadd.s32 $0x40, s18;
	v2 =	vsub.f32 v0, v1;
	v0 =	vld [tilespmem:s19+$0x680];
	(pc) =	sbr.rel @p0 .LBB2_2-.Ltmp0, $4  }
0x26: {  	v1 =	vld [tilespmem:s19+$0xD00];
	v3 =	vpop (erf)  }
0x27: {  	v2 =	vmul.f32 $1.442695020e+00, v2;
	[tilespmem:s15+$0x1380] =	vst v3;
	s15 =	smov.u32 s16;
	s16 =	smov.u32 s17;
	s17 =	smov.u32 s19  }
0x28: {  	_ = 	snop  }
0x29: {  	(erf) = vpow2.f32 v2  }
0x2a: {  	_ = 	snop  }
0x2b: {  	v0 =	vsub.f32 v0, v1;
	_ =	sdelay $0x1  }
0x2c: {  	v0 =	vmul.f32 $1.442695020e+00, v0;
	_ =	sdelay $0x1  }
0x2d: {  	(erf) = vpow2.f32 v0;
	_ =	sdelay $0x6  }
0x2e: {  	v61 =	vpop (erf)  }
0x2f: {  	s14 =	sadd.s32 $0x1, s14;
	[tilespmem:s15+$0x1380] =	vst v61;
	v62 =	vpop (erf)  }
0x30: {  	p0 =	sne.s32 s14, s7;
	[tilespmem:s16+$0x1380] =	vst v62;
	v63 =	vpop (erf)  }
.Ltmp1:
0x31: {  	[tilespmem:s17+$0x1380] =	vst v63;
	(pc) =	sbr.rel @p0 .LBB2_1-.Ltmp1, $4  }
0x32: {  	[hbm4b:s6+s2] =	stream.linear.scatter [tilespmem:s13], [sflag:$0x2], $0x620, $0x38;
	[tilespmem:$0x1A00] =	vst v63  }
0x33: {  	_ =	swait.ge [sflag:s8], $0x620  }
0x34: {  	[sflag:s8] =	ssyncset.done $0x0  }
0x35: {  	[sflag:s8] =	ssyncadd.s32 $0xFFFFF9E0  }
0x36: {  	_ =	sfence.sel $0x180000  }
0x37: {  	[bflag:$0x0] =	sbarrier.arrive $0xFFFF  }
0x38: {  	p0 =	sne.s32 s0, $0x0;
	_ =	strace $0x90000047  }
0x39: {  	s0 =	sadd.s32 @!p0 $0x100000, s1;
	[bflag:$0x2] =	sbarrier.arrive $0xFFFF  }
0x3a: {  	[sflag:s0] =	ssyncadd.tile.s32 @!p0 $0x1;
	_ =	shalt  }
.Lfunc_end2:
_tile_overlayer_lowered:
.L_overlay_start_2:
0x3b: {  	(tag) =	ssettag $0x2  }
0x3c: {  	s0 =	rddreg [dreg:$0x0];
	s2 =	stileid.u32  }
0x3d: {  	s1 =	rddreg [dreg:$0x1];
	p0 =	sne.s32 s2, $0x0  }
0x3e: {  	s3 =	rddreg [dreg:$0x2];
	[bflag:$0x3] =	sbarrier.arrive $0xFFFF;
	s2 =	simm.s32 @!p0 $0x1C02  }
0x3f: {  	[timem:s3], [sflag:s2] =	dma.local @!p0 [hbm:s0], s1  }
0x40: {  	s0 =	simm.s32 @!p0 $0x2  }
0x41: {  	_ =	swait.ge @!p0 [sflag:s0], s1  }
0x42: {  	s1 =	ssub.s32 @!p0 $0x0, s1;
	[sflag:s0] =	ssyncset.done @!p0 $0x0  }
0x43: {  	[sflag:s0] =	ssyncadd.s32 @!p0 s1  }
0x44: {  	[bflag:$0x3] =	sbarrier.arrive $0xFFFF  }
0x45: {  	_ =	shalt  }

</sc_bundles>
